<compile_context>
chip_gen: v7x
topology: tpu7x:2x2x1
jax: 0.10.2.dev20260603
libtpu: 0.0.44.dev20260713+nightly
codegen_flags: <defaults>
</compile_context>

<pallas_src>
import functools

import jax
import jax.numpy as jnp
from jax import lax
from jax.experimental import pallas as pl
from jax.experimental.pallas import tpu as pltpu
from jax.experimental.pallas import tpu_sc as plsc

N_ATOMS = 100000
MAX_Z = 100
D_HID = 256
ZPAD = 128
KAUG = 136
BLK = 8192
GRID = (N_ATOMS + BLK - 1) // BLK
N_PAD = GRID * BLK

NW = 32
CHUNK = 3136
LANES = 16
UNROLL = 4


def _tc_body(z_ref, posT_ref, lhs_ref, w2T_ref, out_ref):
    z = z_ref[0, :]
    species = lax.broadcasted_iota(jnp.int32, (ZPAD, BLK), 0)
    onehotT = (species == z[None, :]).astype(jnp.bfloat16)
    rhs = jnp.concatenate(
        [onehotT, posT_ref[...].astype(jnp.bfloat16),
         jnp.zeros((KAUG - ZPAD - 3, BLK), jnp.bfloat16)], axis=0)
    res = jnp.dot(lhs_ref[...], rhs, preferred_element_type=jnp.float32)
    hT = jnp.tanh(res)
    out_ref[0, :, :] = jnp.dot(w2T_ref[...], hT, preferred_element_type=jnp.float32)


def _sc_atomref(z_in, x_model, table_pad):
    mesh = plsc.VectorSubcoreMesh(core_axis_name="c", subcore_axis_name="s")

    @functools.partial(
        pl.kernel, mesh=mesh,
        compiler_params=pltpu.CompilerParams(needs_layout_passes=False),
        out_type=jax.ShapeDtypeStruct((N_ATOMS,), jnp.float32),
        scratch_types=[
            pltpu.VMEM((CHUNK,), jnp.int32),
            pltpu.VMEM((CHUNK,), jnp.float32),
            pltpu.VMEM((ZPAD,), jnp.float32),
        ],
    )
    def sc_fn(z_hbm, x_hbm, tab_hbm, out_hbm, idx_v, x_v, tab_v):
        wid = lax.axis_index("s") * 2 + lax.axis_index("c")
        base = jnp.minimum(wid * CHUNK, N_ATOMS - CHUNK)
        pltpu.sync_copy(tab_hbm, tab_v)
        pltpu.sync_copy(z_hbm.at[pl.ds(base, CHUNK)], idx_v)
        pltpu.sync_copy(x_hbm.at[pl.ds(base, CHUNK)], x_v)

        def body(i, carry):
            for j in range(UNROLL):
                sl = pl.ds(i * (LANES * UNROLL) + j * LANES, LANES)
                vals = plsc.load_gather(tab_v, [idx_v[sl]])
                x_v[sl] = x_v[sl] + vals
            return carry

        lax.fori_loop(0, CHUNK // (LANES * UNROLL), body, 0)
        pltpu.sync_copy(x_v, out_hbm.at[pl.ds(base, CHUNK)])

    return sc_fn(z_in, x_model, table_pad)


def kernel(z, pos, batch, atomref_table, emb_feat, W1, b1, W2, b2):
    z32 = z.astype(jnp.int32)
    zr = z32.reshape(1, N_ATOMS)
    posT = pos.T
    tableT = jnp.pad((emb_feat + b1[None, :]).T,
                     ((0, 0), (0, ZPAD - MAX_Z)))
    lhs = jnp.pad(jnp.concatenate([tableT, W1.T], axis=1),
                  ((0, 0), (0, KAUG - ZPAD - 3))
                  ).astype(jnp.bfloat16)
    w2T = W2.T
    table_pad = jnp.pad((atomref_table + b2).reshape(MAX_Z),
                        (0, ZPAD - MAX_Z))

    xT = pl.pallas_call(
        _tc_body,
        grid=(GRID,),
        in_specs=[
            pl.BlockSpec((1, BLK), lambda i: (0, i)),
            pl.BlockSpec((3, BLK), lambda i: (0, i)),
            pl.BlockSpec((D_HID, KAUG), lambda i: (0, 0)),
            pl.BlockSpec((1, D_HID), lambda i: (0, 0)),
        ],
        out_specs=pl.BlockSpec((1, 1, BLK), lambda i: (i, 0, 0)),
        out_shape=jax.ShapeDtypeStruct((GRID, 1, BLK), jnp.float32),
    )(zr, posT, lhs, w2T)

    x_full = _sc_atomref(z32, xT.reshape(N_PAD), table_pad)
    x = x_full.reshape(N_ATOMS, 1)
    return (x, z, pos, batch)

# --- scband reference (transcript-rebuilt; emitter-appended) ---
"""Pipeline reference for scband-atomref-31353261261090 (READ-ONLY COPY).

The authoritative reference and input builder live on the scoring server;
editing this copy changes nothing except your own understanding.
"""

import jax, jax.numpy as jnp
import numpy as np

N_ATOMS = 100000
MAX_Z = 100
D_HID = 256
N_MOL = 1024


def setup_inputs(seed: int = 0) -> dict:
    key = jax.random.key(seed)
    ks = jax.random.split(key, 8)
    z = jax.random.randint(ks[0], (N_ATOMS,), 0, MAX_Z)
    pos = jax.random.normal(ks[1], (N_ATOMS, 3), dtype=jnp.float32)
    batch = jnp.sort(jax.random.randint(ks[2], (N_ATOMS,), 0, N_MOL))
    # Atomref wrapper parameter: nn.Embedding(max_z, 1) initialized from atomref buffer
    atomref_table = jax.random.normal(ks[3], (MAX_Z, 1), dtype=jnp.float32) * 0.1
    # Stand-in inner model parameters (self.model): per-atom MLP with species embedding
    emb_feat = jax.random.normal(ks[4], (MAX_Z, D_HID), dtype=jnp.float32) * 0.02
    W1 = jax.random.normal(ks[5], (3, D_HID), dtype=jnp.float32) * 0.1
    b1 = jnp.zeros((D_HID,), dtype=jnp.float32)
    W2 = jax.random.normal(ks[6], (D_HID, 1), dtype=jnp.float32) * 0.1
    b2 = jnp.zeros((1,), dtype=jnp.float32)
    return {"z": z, "pos": pos, "batch": batch, "atomref_table": atomref_table,
            "emb_feat": emb_feat, "W1": W1, "b1": b1, "W2": W2, "b2": b2}


def _inner_model(z, pos, emb_feat, W1, b1, W2, b2):
    # stand-in for self.model(z, pos, batch): returns per-atom scalar x
    h = jnp.tanh(pos @ W1 + jnp.take(emb_feat, z, axis=0) + b1)
    x = h @ W2 + b2  # [N, 1]
    return x


def reference(z, pos, batch, atomref_table, emb_feat, W1, b1, W2, b2):
    # x, z, pos, batch = self.model(z, pos, batch=batch)
    x = _inner_model(z, pos, emb_feat, W1, b1, W2, b2)
    # x = x + self.atomref(z)  -- embedding lookup [N,1]
    x = x + jnp.take(atomref_table, z, axis=0)
    return (x, z, pos, batch)

if __name__ == "__main__":
    import jax
    _d = setup_inputs()
    print(jax.jit(kernel)(*tuple(_d.values())))

</pallas_src>

<mosaic_0001>
#map = affine_map<(d0, d1) -> (0)>
module attributes {stable_mosaic.version = 14 : i64} {
  func.func @sc_fn(%arg0: i32, %arg1: i32, %arg2: memref<100000xi32, #tpu.memory_space<hbm>>, %arg3: memref<106496xf32, #tpu.memory_space<hbm>>, %arg4: memref<128xf32, #tpu.memory_space<hbm>>, %arg5: memref<100000xf32, #tpu.memory_space<hbm>>, %arg6: memref<3136xi32, #tpu.memory_space<vmem>>, %arg7: memref<3136xf32, #tpu.memory_space<vmem>>, %arg8: memref<128xf32, #tpu.memory_space<vmem>>) attributes {dimension_semantics = [#tpu.dimension_semantics<core_parallel>, #tpu.dimension_semantics<subcore_parallel>], iteration_bounds = array<i64: 2, 16>, scalar_prefetch = 0 : i64, scratch_operands = 3 : i64, tpu.core_type = #tpu.core_type<sc_vector_subcore>, window_params = [{transform_indices = #map}, {transform_indices = #map}, {transform_indices = #map}, {transform_indices = #map}]} {
    %mul3A = arith.constant 2 : i32
    %mul3A_0 = arith.muli %arg1, %mul3A : i32
    %add3A = arith.addi %mul3A_0, %arg0 : i32
    %mul3A_1 = arith.constant 3136 : i32
    %mul3A_2 = arith.muli %add3A, %mul3A_1 : i32
    %min3A = arith.constant 96864 : i32
    %min3A_3 = arith.minsi %mul3A_2, %min3A : i32
    "tpu.region"() ({
      %run_scoped3A = tpu.sem_alloc : memref<!tpu.dma_semaphore, #tpu.memory_space<semaphore_mem>>
      tpu.enqueue_dma source(%arg4 : memref<128xf32, #tpu.memory_space<hbm>>) target(%arg8 : memref<128xf32, #tpu.memory_space<vmem>>) target_semaphore(%run_scoped3A : memref<!tpu.dma_semaphore, #tpu.memory_space<semaphore_mem>>)
      tpu.wait_dma2 semaphore(%run_scoped3A : memref<!tpu.dma_semaphore, #tpu.memory_space<semaphore_mem>>) src(%arg4 : memref<128xf32, #tpu.memory_space<hbm>>) dst(%arg8 : memref<128xf32, #tpu.memory_space<vmem>>)
      tpu.yield
    }) : () -> ()
    "tpu.region"() ({
      %run_scoped3A = tpu.sem_alloc : memref<!tpu.dma_semaphore, #tpu.memory_space<semaphore_mem>>
      %dma_start3A = tpu.memref_slice %arg2[%min3A_3] : memref<100000xi32, #tpu.memory_space<hbm>> -> memref<3136xi32, #tpu.memory_space<hbm>>
      %dma_start3A_9 = tpu.memref_slice %arg2[%min3A_3] : memref<100000xi32, #tpu.memory_space<hbm>> -> memref<3136xi32, #tpu.memory_space<hbm>>
      tpu.enqueue_dma source(%dma_start3A_9 : memref<3136xi32, #tpu.memory_space<hbm>>) target(%arg6 : memref<3136xi32, #tpu.memory_space<vmem>>) target_semaphore(%run_scoped3A : memref<!tpu.dma_semaphore, #tpu.memory_space<semaphore_mem>>)
      %dma_wait3A = tpu.memref_slice %arg2[%min3A_3] : memref<100000xi32, #tpu.memory_space<hbm>> -> memref<3136xi32, #tpu.memory_space<hbm>>
      %dma_wait3A_10 = tpu.memref_slice %arg2[%min3A_3] : memref<100000xi32, #tpu.memory_space<hbm>> -> memref<3136xi32, #tpu.memory_space<hbm>>
      tpu.wait_dma2 semaphore(%run_scoped3A : memref<!tpu.dma_semaphore, #tpu.memory_space<semaphore_mem>>) src(%dma_wait3A_10 : memref<3136xi32, #tpu.memory_space<hbm>>) dst(%arg6 : memref<3136xi32, #tpu.memory_space<vmem>>)
      tpu.yield
    }) : () -> ()
    "tpu.region"() ({
      %run_scoped3A = tpu.sem_alloc : memref<!tpu.dma_semaphore, #tpu.memory_space<semaphore_mem>>
      %dma_start3A = tpu.memref_slice %arg3[%min3A_3] : memref<106496xf32, #tpu.memory_space<hbm>> -> memref<3136xf32, #tpu.memory_space<hbm>>
      %dma_start3A_9 = tpu.memref_slice %arg3[%min3A_3] : memref<106496xf32, #tpu.memory_space<hbm>> -> memref<3136xf32, #tpu.memory_space<hbm>>
      tpu.enqueue_dma source(%dma_start3A_9 : memref<3136xf32, #tpu.memory_space<hbm>>) target(%arg7 : memref<3136xf32, #tpu.memory_space<vmem>>) target_semaphore(%run_scoped3A : memref<!tpu.dma_semaphore, #tpu.memory_space<semaphore_mem>>)
      %dma_wait3A = tpu.memref_slice %arg3[%min3A_3] : memref<106496xf32, #tpu.memory_space<hbm>> -> memref<3136xf32, #tpu.memory_space<hbm>>
      %dma_wait3A_10 = tpu.memref_slice %arg3[%min3A_3] : memref<106496xf32, #tpu.memory_space<hbm>> -> memref<3136xf32, #tpu.memory_space<hbm>>
      tpu.wait_dma2 semaphore(%run_scoped3A : memref<!tpu.dma_semaphore, #tpu.memory_space<semaphore_mem>>) src(%dma_wait3A_10 : memref<3136xf32, #tpu.memory_space<hbm>>) dst(%arg7 : memref<3136xf32, #tpu.memory_space<vmem>>)
      tpu.yield
    }) : () -> ()
    %scan3A = arith.constant 0 : i32
    %scan3A_4 = arith.constant 0 : i32
    %scan3A_5 = arith.constant 49 : i32
    %scan3A_6 = arith.addi %scan3A_4, %scan3A_5 : i32
    %scan3A_7 = arith.constant 1 : i32
    scf.for %scan3A_9 = %scan3A_4 to %scan3A_6 step %scan3A_7  : i32 {
      %mul3A_10 = arith.constant 64 : i32
      %mul3A_11 = arith.muli %scan3A_9, %mul3A_10 : i32
      %add3A_12 = arith.constant 0 : i32
      %add3A_13 = arith.addi %mul3A_11, %add3A_12 : i32
      %get3A = arith.index_cast %add3A_13 : i32 to index
      %get3A_14 = tpu.vector_load %arg6[%get3A] {strides = array<i32>} : memref<3136xi32, #tpu.memory_space<vmem>>, vector<16xi32>,
      %gather3A = tpu.vector_load_idx %arg8[%get3A_14] : memref<128xf32, #tpu.memory_space<vmem>>[vector<16xi32>], vector<16xf32>,
      %get3A_15 = arith.index_cast %add3A_13 : i32 to index
      %get3A_16 = tpu.vector_load %arg7[%get3A_15] {strides = array<i32>} : memref<3136xf32, #tpu.memory_space<vmem>>, vector<16xf32>,
      %add3A_17 = arith.addf %get3A_16, %gather3A : vector<16xf32>
      %swap3A = arith.index_cast %add3A_13 : i32 to index
      %swap3A_18 = tpu.vector_load %arg7[%swap3A] {strides = array<i32>} : memref<3136xf32, #tpu.memory_space<vmem>>, vector<16xf32>,
      tpu.vector_store %arg7[%swap3A], %add3A_17 {strides = array<i32>} : memref<3136xf32, #tpu.memory_space<vmem>>, vector<16xf32>,
      %mul3A_19 = arith.constant 64 : i32
      %mul3A_20 = arith.muli %scan3A_9, %mul3A_19 : i32
      %add3A_21 = arith.constant 16 : i32
      %add3A_22 = arith.addi %mul3A_20, %add3A_21 : i32
      %get3A_23 = arith.index_cast %add3A_22 : i32 to index
      %get3A_24 = tpu.vector_load %arg6[%get3A_23] {strides = array<i32>} : memref<3136xi32, #tpu.memory_space<vmem>>, vector<16xi32>,
      %gather3A_25 = tpu.vector_load_idx %arg8[%get3A_24] : memref<128xf32, #tpu.memory_space<vmem>>[vector<16xi32>], vector<16xf32>,
      %get3A_26 = arith.index_cast %add3A_22 : i32 to index
      %get3A_27 = tpu.vector_load %arg7[%get3A_26] {strides = array<i32>} : memref<3136xf32, #tpu.memory_space<vmem>>, vector<16xf32>,
      %add3A_28 = arith.addf %get3A_27, %gather3A_25 : vector<16xf32>
      %swap3A_29 = arith.index_cast %add3A_22 : i32 to index
      %swap3A_30 = tpu.vector_load %arg7[%swap3A_29] {strides = array<i32>} : memref<3136xf32, #tpu.memory_space<vmem>>, vector<16xf32>,
      tpu.vector_store %arg7[%swap3A_29], %add3A_28 {strides = array<i32>} : memref<3136xf32, #tpu.memory_space<vmem>>, vector<16xf32>,
      %mul3A_31 = arith.constant 64 : i32
      %mul3A_32 = arith.muli %scan3A_9, %mul3A_31 : i32
      %add3A_33 = arith.constant 32 : i32
      %add3A_34 = arith.addi %mul3A_32, %add3A_33 : i32
      %get3A_35 = arith.index_cast %add3A_34 : i32 to index
      %get3A_36 = tpu.vector_load %arg6[%get3A_35] {strides = array<i32>} : memref<3136xi32, #tpu.memory_space<vmem>>, vector<16xi32>,
      %gather3A_37 = tpu.vector_load_idx %arg8[%get3A_36] : memref<128xf32, #tpu.memory_space<vmem>>[vector<16xi32>], vector<16xf32>,
      %get3A_38 = arith.index_cast %add3A_34 : i32 to index
      %get3A_39 = tpu.vector_load %arg7[%get3A_38] {strides = array<i32>} : memref<3136xf32, #tpu.memory_space<vmem>>, vector<16xf32>,
      %add3A_40 = arith.addf %get3A_39, %gather3A_37 : vector<16xf32>
      %swap3A_41 = arith.index_cast %add3A_34 : i32 to index
      %swap3A_42 = tpu.vector_load %arg7[%swap3A_41] {strides = array<i32>} : memref<3136xf32, #tpu.memory_space<vmem>>, vector<16xf32>,
      tpu.vector_store %arg7[%swap3A_41], %add3A_40 {strides = array<i32>} : memref<3136xf32, #tpu.memory_space<vmem>>, vector<16xf32>,
      %mul3A_43 = arith.constant 64 : i32
      %mul3A_44 = arith.muli %scan3A_9, %mul3A_43 : i32
      %add3A_45 = arith.constant 48 : i32
      %add3A_46 = arith.addi %mul3A_44, %add3A_45 : i32
      %get3A_47 = arith.index_cast %add3A_46 : i32 to index
      %get3A_48 = tpu.vector_load %arg6[%get3A_47] {strides = array<i32>} : memref<3136xi32, #tpu.memory_space<vmem>>, vector<16xi32>,
      %gather3A_49 = tpu.vector_load_idx %arg8[%get3A_48] : memref<128xf32, #tpu.memory_space<vmem>>[vector<16xi32>], vector<16xf32>,
      %get3A_50 = arith.index_cast %add3A_46 : i32 to index
      %get3A_51 = tpu.vector_load %arg7[%get3A_50] {strides = array<i32>} : memref<3136xf32, #tpu.memory_space<vmem>>, vector<16xf32>,
      %add3A_52 = arith.addf %get3A_51, %gather3A_49 : vector<16xf32>
      %swap3A_53 = arith.index_cast %add3A_46 : i32 to index
      %swap3A_54 = tpu.vector_load %arg7[%swap3A_53] {strides = array<i32>} : memref<3136xf32, #tpu.memory_space<vmem>>, vector<16xf32>,
      tpu.vector_store %arg7[%swap3A_53], %add3A_52 {strides = array<i32>} : memref<3136xf32, #tpu.memory_space<vmem>>, vector<16xf32>,
    }
    %scan3A_8 = arith.constant 49 : i32
    "tpu.region"() ({
      %run_scoped3A = tpu.sem_alloc : memref<!tpu.dma_semaphore, #tpu.memory_space<semaphore_mem>>
      %dma_start3A = tpu.memref_slice %arg5[%min3A_3] : memref<100000xf32, #tpu.memory_space<hbm>> -> memref<3136xf32, #tpu.memory_space<hbm>>
      %dma_start3A_9 = tpu.memref_slice %arg5[%min3A_3] : memref<100000xf32, #tpu.memory_space<hbm>> -> memref<3136xf32, #tpu.memory_space<hbm>>
      tpu.enqueue_dma source(%arg7 : memref<3136xf32, #tpu.memory_space<vmem>>) target(%dma_start3A_9 : memref<3136xf32, #tpu.memory_space<hbm>>) target_semaphore(%run_scoped3A : memref<!tpu.dma_semaphore, #tpu.memory_space<semaphore_mem>>)
      %dma_wait3A = tpu.memref_slice %arg5[%min3A_3] : memref<100000xf32, #tpu.memory_space<hbm>> -> memref<3136xf32, #tpu.memory_space<hbm>>
      %dma_wait3A_10 = tpu.memref_slice %arg5[%min3A_3] : memref<100000xf32, #tpu.memory_space<hbm>> -> memref<3136xf32, #tpu.memory_space<hbm>>
      tpu.wait_dma2 semaphore(%run_scoped3A : memref<!tpu.dma_semaphore, #tpu.memory_space<semaphore_mem>>) src(%arg7 : memref<3136xf32, #tpu.memory_space<vmem>>) dst(%dma_wait3A_10 : memref<3136xf32, #tpu.memory_space<hbm>>)
      tpu.yield
    }) : () -> ()
    return
  }
}

module attributes {stable_mosaic.version = 14 : i64} {
  func.func @_tc_body(%arg0: i32, %arg1: memref<1x8192xi32, #tpu.memory_space<vmem>>, %arg2: memref<3x8192xf32, #tpu.memory_space<vmem>>, %arg3: memref<256x136xbf16, #tpu.memory_space<vmem>>, %arg4: memref<1x256xf32, #tpu.memory_space<vmem>>, %arg5: memref<1x1x8192xf32, #tpu.memory_space<vmem>>) attributes {dimension_semantics = [#tpu.dimension_semantics<arbitrary>], iteration_bounds = array<i64: 13>, scalar_prefetch = 0 : i64, scratch_operands = 0 : i64, tpu.core_type = #tpu.core_type<tc>, window_params = [{transform_indices = @transform_0, window_bounds = array<i64: 1, 8192>}, {transform_indices = @transform_1, window_bounds = array<i64: 3, 8192>}, {pipeline_mode = #tpu.pipeline_mode<synchronous>, transform_indices = @transform_2, window_bounds = array<i64: 256, 136>}, {pipeline_mode = #tpu.pipeline_mode<synchronous>, transform_indices = @transform_3, window_bounds = array<i64: 1, 256>}, {transform_indices = @transform_4, window_bounds = array<i64: 1, 1, 8192>}]} {
    %get3A = arith.constant 0 : index
    %get3A_0 = arith.constant 0 : index
    %get3A_1 = vector.load %arg1[%get3A, %get3A_0] : memref<1x8192xi32, #tpu.memory_space<vmem>>, vector<1x8192xi32>
    %get3A_2 = vector.shape_cast %get3A_1 : vector<1x8192xi32> to vector<8192xi32>
    %iota3A = tpu.iota {dimensions = array<i32: 0>} : vector<128x8192xi32>
    %broadcast_in_dim3A = vector.shape_cast %get3A_2 : vector<8192xi32> to vector<1x8192xi32>
    %eq3A = vector.broadcast %broadcast_in_dim3A : vector<1x8192xi32> to vector<128x8192xi32>
    %eq3A_3 = arith.cmpi eq, %iota3A, %eq3A : vector<128x8192xi32>
    %convert_element_type3A = arith.extui %eq3A_3 : vector<128x8192xi1> to vector<128x8192xi32>
    %convert_element_type3A_4 = arith.sitofp %convert_element_type3A : vector<128x8192xi32> to vector<128x8192xf32>
    %convert_element_type3A_5 = arith.truncf %convert_element_type3A_4 : vector<128x8192xf32> to vector<128x8192xbf16>
    %get3A_6 = arith.constant 0 : index
    %get3A_7 = arith.constant 0 : index
    %get3A_8 = vector.load %arg2[%get3A_6, %get3A_7] : memref<3x8192xf32, #tpu.memory_space<vmem>>, vector<3x8192xf32>
    %convert_element_type3A_9 = arith.truncf %get3A_8 : vector<3x8192xf32> to vector<3x8192xbf16>
    %broadcast_in_dim3A_10 = arith.constant 0.000000e+00 : bf16
    %broadcast_in_dim3A_11 = vector.broadcast %broadcast_in_dim3A_10 : bf16 to vector<5x8192xbf16>
    %concatenate3A = tpu.concatenate %convert_element_type3A_5, %convert_element_type3A_9, %broadcast_in_dim3A_11 in 0 : vector<128x8192xbf16>, vector<3x8192xbf16>, vector<5x8192xbf16> -> vector<136x8192xbf16>
    %get3A_12 = arith.constant 0 : index
    %get3A_13 = arith.constant 0 : index
    %get3A_14 = vector.load %arg3[%get3A_12, %get3A_13] : memref<256x136xbf16, #tpu.memory_space<vmem>>, vector<256x136xbf16>
    %dot_general3A = arith.constant dense<0.000000e+00> : vector<256x8192xf32>
    %dot_general3A_15 = tpu.matmul %get3A_14, %concatenate3A, %dot_general3A {dimension_numbers = #tpu.dot_dimension_numbers<[1], [0], [0], [1], [0, 0, 1, 1], [], []>, transpose_lhs_hint = false} : vector<256x136xbf16>, vector<136x8192xbf16>, vector<256x8192xf32> -> vector<256x8192xf32>
    %tanh3A = math.tanh %dot_general3A_15 : vector<256x8192xf32>
    %get3A_16 = arith.constant 0 : index
    %get3A_17 = arith.constant 0 : index
    %get3A_18 = vector.load %arg4[%get3A_16, %get3A_17] : memref<1x256xf32, #tpu.memory_space<vmem>>, vector<1x256xf32>
    %dot_general3A_19 = arith.constant dense<0.000000e+00> : vector<1x8192xf32>
    %dot_general3A_20 = tpu.matmul %get3A_18, %tanh3A, %dot_general3A_19 {dimension_numbers = #tpu.dot_dimension_numbers<[1], [0], [0], [1], [0, 0, 1, 1], [], []>, transpose_lhs_hint = false} : vector<1x256xf32>, vector<256x8192xf32>, vector<1x8192xf32> -> vector<1x8192xf32>
    %swap3A = arith.constant 0 : index
    %swap3A_21 = arith.constant 0 : index
    %swap3A_22 = arith.constant 0 : index
    %swap3A_23 = vector.load %arg5[%swap3A, %swap3A_21, %swap3A_22] : memref<1x1x8192xf32, #tpu.memory_space<vmem>>, vector<1x1x8192xf32>
    %swap3A_24 = vector.shape_cast %swap3A_23 : vector<1x1x8192xf32> to vector<1x8192xf32>
    %swap3A_25 = vector.shape_cast %dot_general3A_20 : vector<1x8192xf32> to vector<1x1x8192xf32>
    tpu.vector_store %arg5[%swap3A, %swap3A_21, %swap3A_22], %swap3A_25 {strides = array<i32>} : memref<1x1x8192xf32, #tpu.memory_space<vmem>>, vector<1x1x8192xf32>,
    return
  }
  func.func @transform_0(%arg0: i32) -> (i32, i32) {
    %c0_i32 = arith.constant 0 : i32
    %c0_i32_0 = arith.constant 0 : i32
    return %c0_i32, %arg0 : i32, i32
  }
  func.func @transform_1(%arg0: i32) -> (i32, i32) {
    %c0_i32 = arith.constant 0 : i32
    %c0_i32_0 = arith.constant 0 : i32
    return %c0_i32, %arg0 : i32, i32
  }
  func.func @transform_2(%arg0: i32) -> (i32, i32) {
    %c0_i32 = arith.constant 0 : i32
    %c0_i32_0 = arith.constant 0 : i32
    %c0_i32_1 = arith.constant 0 : i32
    return %c0_i32, %c0_i32_0 : i32, i32
  }
  func.func @transform_3(%arg0: i32) -> (i32, i32) {
    %c0_i32 = arith.constant 0 : i32
    %c0_i32_0 = arith.constant 0 : i32
    %c0_i32_1 = arith.constant 0 : i32
    return %c0_i32, %c0_i32_0 : i32, i32
  }
  func.func @transform_4(%arg0: i32) -> (i32, i32, i32) {
    %c0_i32 = arith.constant 0 : i32
    %c0_i32_0 = arith.constant 0 : i32
    %c0_i32_1 = arith.constant 0 : i32
    return %arg0, %c0_i32, %c0_i32_0 : i32, i32, i32
  }
}

</mosaic_0001>

<sc_bundles>
// kernel: kernel.4.cloned.1.call-start
scs
__scs_entry_jumppad:
0x0: {  	(pc) =	sbr.rel $0x88, $3  }
0x1: {  	(tag) =	ssettag $0x0;
	lr =	simm.s32 $0x1  }
0x2: {  	[smem:$0x3F98] =	sst lr;
	_ =	strace $0xD0000000  }
0x3: {  	_ = 	snop  }
0x4: {  	_ = 	snop  }
0x5: {  	_ = 	snop  }
0x6: {  	_ = 	snop  }
0x7: {  	_ = 	snop  }
__scs_overlays_trampoline_lowered:
0x8: {  	[smem:$0x3FA7] =	sst s0  }
0x9: {  	[smem:$0x3FA8] =	sst s1  }
0xa: {  	[smem:$0x3FA9] =	sst s2  }
0xb: {  	[smem:$0x3FAA] =	sst s3  }
0xc: {  	[smem:$0x3FAB] =	sst s4  }
0xd: {  	[smem:$0x3FAC] =	sst s5  }
0xe: {  	[smem:$0x3FAD] =	sst s6  }
0xf: {  	[smem:$0x3FAE] =	sst s7  }
0x10: {  	[smem:$0x3FAF] =	sst s8  }
0x11: {  	[smem:$0x3FB0] =	sst s9;
	s0 =	simm.s32 @!p0 $0x0  }
0x12: {  	s1 =	sld [smem:$0x3F96];
	s0 =	simm.s32 @p0 $0x1  }
0x13: {  	[smem:$0x3FB1] =	sst s0;
	s0 =	simm.s32 @!p1 $0x0  }
0x14: {  	s2 =	sld [smem:$0x3F95];
	s0 =	simm.s32 @p1 $0x1  }
0x15: {  	[smem:$0x3FB2] =	sst s0;
	s0 =	simm.s32 @!p2 $0x0  }
0x16: {  	s3 =	sld [smem:$0x3FDB];
	s0 =	simm.s32 @p2 $0x1  }
0x17: {  	s4 =	simm.s32 $0x1BF5;
	[smem:$0x3FB4] =	sst s0  }
0x18: {  	s0 =	sld [smem:$0x3F97];
	_ =	swait.ge [sflag:s4], $0x0  }
0x19: {  	s7 =	sld [smem:$0x3F98]  }
0x1a: {  	s8 =	sadd.s32 $0xFFFFE003, lr  }
0x1b: {  	s9 =	sadd.s32 $0xFFFFFEF7, lr;
	s5 =	simm.s32 $0xFFFFFFFF;
	p2 =	slt.u32 s8, $0xFFFFF086  }
0x1c: {  	p1 =	slt.u32 s9, $0xF7A;
	s5 =	simm.s32 @!p2 $0x0  }
0x1d: {  	s5 =	simm.s32 @p1 $0x1;
	p0 =	seq.s32 s7, s2  }
0x1e: {  	s7 =	smul.u32 @!p0 $0xF7A, s2;
	p2 =	seq.s32 @!p0 s5, $0x0  }
0x1f: {  	s9 =	smul.u32 $0xF7A, s1;
	s8 =	simm.s32 @!p0 $0x1BF5;
	p2 =	por !p2, p0  }
0x20: {  	[sflag:s8] =	ssyncset.s32 @!p0 $0xFFFFF086;
	s6 =	sadd.s32 @!p0 s3, s7;
	s7 =	simm.s32 @!p0 $0x108  }
0x21: {  	s3 =	sadd.s32 s3, s9;
	s6 =	sadd.s32 @!p0 $0x88, s6;
	s7 =	simm.s32 @p2 $0x1082  }
0x22: {  	[simem:s7], [sflag:s8] =	dma.local @!p0 [hbm:s6], $0xF7A  }
0x23: {  	s9 =	sor.u32 $0xD0000000, s2;
	s6 =	simm.s32 $0x108;
	_ =	swait.ge @!p0 [sflag:s8], $0x0  }
0x24: {  	s3 =	sadd.s32 $0x88, s3;
	s6 =	simm.s32 @!p1 $0x1082;
	[sflag:s4] =	ssyncset.s32 $0xFFFFF086  }
0x25: {  	[simem:s6], [sflag:s4] =	dma.local [hbm:s3], $0xF7A  }
0x26: {  	[smem:$0x3F98] =	sst s1;
	(tag) =	ssettag s2;
	_ =	strace s9  }
0x27: {  	s1 =	sld [smem:$0x3FA8]  }
0x28: {  	s2 =	sld [smem:$0x3FA9]  }
0x29: {  	s4 =	sld [smem:$0x3FAB]  }
0x2a: {  	p0 =	seq.s32 s5, $0x0;
	s5 =	sld [smem:$0x3FAC]  }
0x2b: {  	s6 =	sld [smem:$0x3FAD]  }
0x2c: {  	s7 =	sld [smem:$0x3FAE]  }
0x2d: {  	s3 =	simm.s32 $0x108;
	s8 =	sld [smem:$0x3FAF]  }
0x2e: {  	s3 =	simm.s32 @!p0 $0x1082;
	s9 =	sld [smem:$0x3FB0]  }
0x2f: {  	lr =	sadd.s32 s0, s3;
	s0 =	sld [smem:$0x3FA7]  }
0x30: {  	s3 =	sld [smem:$0x3FAA]  }
0x31: {  	[smem:$0x3FB3] =	sst s10  }
0x32: {  	s10 =	sld [smem:$0x3FB1];
	_ =	sdelay $0x3  }
0x33: {  	p0 =	seq.s32 s10, $0x1;
	s10 =	sld [smem:$0x3FB3];
	_ =	sdelay $0x3  }
0x34: {  	[smem:$0x3FB3] =	sst s10  }
0x35: {  	s10 =	sld [smem:$0x3FB2];
	_ =	sdelay $0x3  }
0x36: {  	p1 =	seq.s32 s10, $0x1;
	s10 =	sld [smem:$0x3FB3];
	_ =	sdelay $0x3  }
0x37: {  	[smem:$0x3FB3] =	sst s10  }
0x38: {  	s10 =	sld [smem:$0x3FB4]  }
0x39: {  	_ = 	snop;
	(pc) =	sbr.ind lr, $3  }
0x3a: {  	_ = 	snop  }
0x3b: {  	_ = 	snop  }
0x3c: {  	p2 =	seq.s32 s10, $0x1;
	s10 =	sld [smem:$0x3FB3]  }
0x3d: {  	_ =	shalt  }
0x3e: {  	_ =	shalt  }
0x3f: {  	_ =	shalt  }
0x40: {  	_ =	shalt  }
0x41: {  	_ =	shalt  }
0x42: {  	_ =	shalt  }
0x43: {  	_ =	shalt  }
0x44: {  	_ =	shalt  }
0x45: {  	_ =	shalt  }
0x46: {  	_ =	shalt  }
0x47: {  	_ =	shalt  }
0x48: {  	_ =	shalt  }
0x49: {  	_ =	shalt  }
0x4a: {  	_ =	shalt  }
0x4b: {  	_ =	shalt  }
0x4c: {  	_ =	shalt  }
0x4d: {  	_ =	shalt  }
0x4e: {  	_ =	shalt  }
0x4f: {  	_ =	shalt  }
0x50: {  	_ =	shalt  }
0x51: {  	_ =	shalt  }
0x52: {  	_ =	shalt  }
0x53: {  	_ =	shalt  }
0x54: {  	_ =	shalt  }
0x55: {  	_ =	shalt  }
0x56: {  	_ =	shalt  }
0x57: {  	_ =	shalt  }
0x58: {  	_ =	shalt  }
0x59: {  	_ =	shalt  }
0x5a: {  	_ =	shalt  }
0x5b: {  	_ =	shalt  }
0x5c: {  	_ =	shalt  }
0x5d: {  	_ =	shalt  }
0x5e: {  	_ =	shalt  }
0x5f: {  	_ =	shalt  }
0x60: {  	_ =	shalt  }
0x61: {  	_ =	shalt  }
0x62: {  	_ =	shalt  }
0x63: {  	_ =	shalt  }
0x64: {  	_ =	shalt  }
0x65: {  	_ =	shalt  }
0x66: {  	_ =	shalt  }
0x67: {  	_ =	shalt  }
0x68: {  	_ =	shalt  }
0x69: {  	_ =	shalt  }
0x6a: {  	_ =	shalt  }
0x6b: {  	_ =	shalt  }
0x6c: {  	_ =	shalt  }
0x6d: {  	_ =	shalt  }
0x6e: {  	_ =	shalt  }
0x6f: {  	_ =	shalt  }
0x70: {  	_ =	shalt  }
0x71: {  	_ =	shalt  }
0x72: {  	_ =	shalt  }
0x73: {  	_ =	shalt  }
0x74: {  	_ =	shalt  }
0x75: {  	_ =	shalt  }
0x76: {  	_ =	shalt  }
0x77: {  	_ =	shalt  }
0x78: {  	_ =	shalt  }
0x79: {  	_ =	shalt  }
0x7a: {  	_ =	shalt  }
0x7b: {  	_ =	shalt  }
0x7c: {  	_ =	shalt  }
0x7d: {  	_ =	shalt  }
0x7e: {  	_ =	shalt  }
0x7f: {  	_ =	shalt  }
0x80: {  	_ =	shalt  }
0x81: {  	_ =	shalt  }
0x82: {  	_ =	shalt  }
0x83: {  	_ =	shalt  }
0x84: {  	_ =	shalt  }
0x85: {  	_ =	shalt  }
0x86: {  	_ =	shalt  }
0x87: {  	_ =	shalt  }
.Lfunc_end0:
.L_simem_size_0:
called_computation_lowered:
.L_overlay_start_0:
0x88: {  	s2 =	sld [smem:$0x3FD9]  }
0x89: {  	s3 =	sld [smem:$0x3FFE];
	_ =	sdelay $0x1  }
0x8a: {  	s1 =	srdreg.scid  }
0x8b: {  	s0 =	sand.u32 $0x1, s1  }
0x8c: {  	s15 =	sshll.u32 s0, $0xA;
	s2 =	sadd.s32 s3, s2  }
0x8d: {  	s2 =	sadd.s32 s2, s15  }
0x8e: {  	[smem:$0x3FBF] =	sst s2  }
0x8f: {  	_ = 	snop  }
0x90: {  	s2 =	sld [smem:$0x3FD0];
	_ =	sdelay $0x2  }
0x91: {  	s4 =	simm.s32 $0xA;
	s5 =	simm.s32 $0x10;
	s16 =	sld [smem:$0x3FC9]  }
0x92: {  	[smem:s5], [sflag:s4] =	dma.local [hbm:s2], $0x1  }
0x93: {  	_ =	swait.eq [sflag:s4], $0x1  }
0x94: {  	s17 =	sld [smem:$0x10];
	[sflag:s4] =	ssyncset.done $0x0  }
0x95: {  	s18 =	sld [smem:$0x12];
	[sflag:s4] =	ssyncadd.s32 $0xFFFFFFFF  }
0x96: {  	s19 =	sld [smem:$0x13];
	(tm) =	ssettm $0x1  }
0x97: {  	s6 =	sld [smem:$0x3FFB];
	_ =	sdelay $0x3  }
0x98: {  	_ =	strace s6  }
0x99: {  	s6 =	sld [smem:$0x3FFC];
	_ =	sdelay $0x3  }
0x9a: {  	_ =	strace s6  }
0x9b: {  	s6 =	sld [smem:$0x3FFD];
	_ =	sdelay $0x3  }
0x9c: {  	_ =	strace s6  }
0x9d: {  	_ =	strace $0x8FFFFFFF  }
0x9e: {  	s20 =	sld [smem:$0x3FDB];
	_ =	sdelay $0x1  }
0x9f: {  	s7 =	simm.s32 $_scs_section_size  }
0xa0: {  	s8 =	simm.s32 $_size__tile_overlayer_lowered;
	s9 =	simm.s32 $_tile_overlayer_lowered  }
0xa1: {  	s23 =	simm.s32 $0x1BFF;
	s22 =	sshll.u32 s9, $0x1;
	s6 =	sadd.s32 s7, s20  }
0xa2: {  	s10 =	simm.s32 $0x0;
	s21 =	sshll.u32 s8, $0x1;
	s8 =	sadd.s32 s22, s6  }
0xa3: {  	[timem:s10], [sflag:s23] =	dma.local [hbm:s8], s21  }
0xa4: {  	_ =	swait.ge [sflag:s23], s21  }
0xa5: {  	s7 =	ssub.s32 $0x0, s21;
	[sflag:s23] =	ssyncset.done $0x0  }
0xa6: {  	[sflag:s23] =	ssyncadd.s32 s7;
	_ =	sdelay $0x1  }
0xa7: {  	s24 =	simm.s32 $0x1B8B  }
0xa8: {  	_ =	swait.ge [sflag:s24], $0x1  }
0xa9: {  	[sflag:s24] =	ssyncset.done $0x0  }
0xaa: {  	s25 =	simm.s32 $0x1B8E;
	[sflag:s24] =	ssyncadd.s32 $0xFFFFFFFF  }
0xab: {  	s26 =	simm.s32 $execute0_lowered;
	[smem:$0x3FD2] =	sst s25  }
0xac: {  	s7 =	sshll.u32 s26, $0x1;
	_ =	strace $0x80000046;
	[dreg:$0x1] =	wrdreg $0xFFFFFFFF  }
0xad: {  	s28 =	simm.s32 $_size_execute0_lowered;
	s6 =	sadd.s32 s6, s7;
	[dreg:$0x0] =	wrdreg $0x0  }
0xae: {  	s7 =	sshll.u32 s28, $0x1;
	[dreg:$0x2] =	wrdreg s6  }
0xaf: {  	[dreg:$0x3] =	wrdreg s7  }
0xb0: {  	[dreg:$0x4] =	wrdreg $0xC0  }
0xb1: {  	_ =	task [dreg:s10], $0x5FFFF  }
0xb2: {  	[dreg:$0x1] =	wrdreg $0xFFFFFFFF  }
0xb3: {  	[dreg:$0x0] =	wrdreg $0x60  }
0xb4: {  	[dreg:$0x2] =	wrdreg s16  }
0xb5: {  	[dreg:$0x3] =	wrdreg s18  }
0xb6: {  	[dreg:$0x4] =	wrdreg s17  }
0xb7: {  	[dreg:$0x5] =	wrdreg s19  }
0xb8: {  	[dreg:$0x6] =	wrdreg $0x9  }
0xb9: {  	_ =	task.clear_ibuf [dreg:s10], $0x7FFFF;
	_ =	strace $0x90000046  }
0xba: {  	s29 =	simm.s32 $0x9;
	_ =	strace $0x80000048  }
0xbb: {  	_ =	swait.ge [sflag:s29], $0x1  }
0xbc: {  	[sflag:s29] =	ssyncadd.s32 $0xFFFFFFFF  }
0xbd: {  	_ =	strace $0x90000048  }
0xbe: {  	_ =	sfence  }
0xbf: {  	s30 =	sld [smem:$0x0];
	_ =	sdelay $0x2  }
0xc0: {  	s31 =	sshll.u32 s1, $0xD;
	s1 =	sshrl.u32 s1, $0x2  }
0xc1: {  	s3 =	sand.u32 $0x4000, s31;
	s1 =	sadd.s32 s1, s30  }
0xc2: {  	s0 =	sor.u32 s3, s0;
	s1 =	sshll.u32 s1, $0x11  }
0xc3: {  	s0 =	sor.u32 s1, s0  }
0xc4: {  	s0 =	sadd.s32 $0x8F2B, s0  }
0xc5: {  	[sflag:s0] =	ssyncadd.remote.s32 $0x1  }
0xc6: {  	_ =	sfence.sel $0xFFFF  }
0xc7: {  	[dreg:$0x0] =	wrdreg $0xFFFFFFFF;
	(pc) =	sbr.abs _section_cstart, $3  }
0xc8: {  	[dreg:$0x1] =	wrdreg $0xFFFFFFFF  }
0xc9: {  	_ =	task.clear_ibuf [dreg:s10], $0x2FFFF;
	_ =	strace $0x9FFFFFFF  }
0xca: {  	(tm) =	ssettm $0x7FFFFFFF  }
0xcb: {  	_ =	shalt  }
tec
execute0_lowered:
.L_overlay_start_1:
0x0: {  	(tag) =	ssettag $0x1  }
0x1: {  	s4 =	rddreg [dreg:$0x0];
	s1 =	srdreg.scid  }
0x2: {  	s0 =	stileid.u32;
	s5 =	rddreg [dreg:$0x1]  }
0x3: {  	s2 =	rddreg [dreg:$0x2];
	s6 =	sand.u32 $0x1, s1;
	s31 =	sshll.u32 s0, $0x1  }
0x4: {  	s7 =	rddreg [dreg:$0x3];
	s1 =	sor.u32 s6, s31  }
0x5: {  	s3 =	simm.s32 $0x0;
	s10 =	simm.s32 $0xC80;
	s8 =	smul.u32 $0xC40, s1  }
0x6: {  	s11 =	simm.s32 $0x0;
	[smem:$0x7FF] =	sst s3;
	s6 =	ssub.s32 $0x2, s6  }
0x7: {  	s1 =	rddreg [dreg:$0x4];
	s9 =	sshrl.u32 s6, $0x1;
	s8 =	smin.u32 s8, $0x17A60  }
0x8: {  	_ =	strace $0x80000047;
	s9 =	ssub.s32 s6, s9;
	s8 =	sshrl.u32 s8, $0x3  }
0x9: {  	s4 =	sadd.s32 s4, s8;
	s5 =	sadd.s32 s5, s8;
	s6 =	sadd.s32 s7, s8  }
0xa: {  	s7 =	smax.u32 s9, $0x1;
	s8 =	simm.s32 $0x1900;
	s9 =	simm.s32 $0x1  }
.LBB2_1:
0xb: {  	[tilespmem:s8], [sflag:$0x1] =	stream.linear.gather [hbm4b:s2+s3], $0x80, $0x38;
	[tilespmem:$0x1980] =	vst v63  }
0xc: {  	_ =	swait.ge [sflag:s9], $0x80  }
0xd: {  	[sflag:s9] =	ssyncset.done $0x0  }
0xe: {  	[sflag:s9] =	ssyncadd.s32 $0xFFFFFF80  }
0xf: {  	[tilespmem:s3], [sflag:$0x1] =	stream.linear.gather [hbm4b:s4+s3], $0xC40, $0x38;
	[tilespmem:$0x1980] =	vst v63  }
0x10: {  	_ =	swait.ge [sflag:s9], $0xC40  }
0x11: {  	[sflag:s9] =	ssyncset.done $0x0  }
0x12: {  	[sflag:s9] =	ssyncadd.s32 $0xFFFFF3C0  }
0x13: {  	[tilespmem:s10], [sflag:$0x1] =	stream.linear.gather [hbm4b:s5+s3], $0xC40, $0x38;
	[tilespmem:$0x1980] =	vst v63  }
0x14: {  	_ =	swait.ge [sflag:s9], $0xC40  }
0x15: {  	[sflag:s9] =	ssyncset.done $0x0  }
0x16: {  	s12 =	simm.s32 $0x0;
	[sflag:s9] =	ssyncadd.s32 $0xFFFFF3C0  }
0x17: {  	v0 =	vld [tilespmem:s12+$0x0];
	_ =	sdelay $0x5  }
0x18: {  	v1 =	vld [tilespmem:s12+$0x10]  }
0x19: {  	v2 =	vld [tilespmem:s12+$0xC80]  }
0x1a: {  	v0 =	vld.idx.msk [tilespmem:v0+s8+$0x0], $0xffff;
	_ =	sdelay $0x4  }
0x1b: {  	v0 =	vadd.f32 v2, v0;
	_ =	sdelay $0x1  }
0x1c: {  	v2 =	vld [tilespmem:s12+$0x20];
	[tilespmem:s12+$0xC80] =	vst v0  }
0x1d: {  	v0 =	vld.idx.msk [tilespmem:v1+s8+$0x0], $0xffff  }
0x1e: {  	v1 =	vld [tilespmem:s12+$0xC90];
	_ =	sdelay $0x4  }
0x1f: {  	v0 =	vadd.f32 v1, v0;
	_ =	sdelay $0x1  }
0x20: {  	v1 =	vld [tilespmem:s12+$0x30];
	[tilespmem:s12+$0xC90] =	vst v0  }
0x21: {  	v0 =	vld.idx.msk [tilespmem:v2+s8+$0x0], $0xffff  }
0x22: {  	v2 =	vld [tilespmem:s12+$0xCA0];
	_ =	sdelay $0x4  }
0x23: {  	v2 =	vadd.f32 v2, v0  }
0x24: {  	s14 =	simm.s32 $0x40  }
0x25: {  	v0 =	vld [tilespmem:s14+$0x0];
	[tilespmem:s12+$0xCA0] =	vst v2  }
0x26: {  	s13 =	simm.s32 $0x200;
	v1 =	vld.idx.msk [tilespmem:v1+s8+$0x0], $0xffff  }
.LBB2_2:
0x27: {  	p0 =	sne.s32 s13, $0x3000;
	v2 =	vld [tilespmem:s12+$0xCB0];
	_ =	sdelay $0x4  }
0x28: {  	v1 =	vadd.f32 v2, v1;
	_ =	sdelay $0x1  }
0x29: {  	v2 =	vld [tilespmem:s14+$0x10];
	[tilespmem:s12+$0xCB0] =	vst v1;
	s12 =	smov.u32 s14  }
0x2a: {  	v0 =	vld.idx.msk [tilespmem:v0+s8+$0x0], $0xffff  }
0x2b: {  	v1 =	vld [tilespmem:s12+$0xC80];
	_ =	sdelay $0x4  }
0x2c: {  	v0 =	vadd.f32 v1, v0;
	_ =	sdelay $0x1  }
0x2d: {  	[tilespmem:s12+$0xC80] =	vst v0;
	v0 =	vld [tilespmem:s12+$0x20]  }
0x2e: {  	v1 =	vld.idx.msk [tilespmem:v2+s8+$0x0], $0xffff  }
0x2f: {  	v2 =	vld [tilespmem:s12+$0xC90];
	_ =	sdelay $0x4  }
0x30: {  	v1 =	vadd.f32 v2, v1;
	_ =	sdelay $0x1  }
0x31: {  	[tilespmem:s12+$0xC90] =	vst v1;
	v1 =	vld [tilespmem:s12+$0x30]  }
0x32: {  	v0 =	vld.idx.msk [tilespmem:v0+s8+$0x0], $0xffff  }
0x33: {  	v2 =	vld [tilespmem:s12+$0xCA0];
	_ =	sdelay $0x3  }
.Ltmp0:
0x34: {  	(pc) =	sbr.rel @p0 .LBB2_2-.Ltmp0, $4  }
0x35: {  	v2 =	vadd.f32 v2, v0  }
0x36: {  	s14 =	sshra.s32 s13, $0x2  }
0x37: {  	v0 =	vld [tilespmem:s14+$0x0];
	[tilespmem:s12+$0xCA0] =	vst v2  }
0x38: {  	s13 =	sadd.s32 $0x100, s13;
	v1 =	vld.idx.msk [tilespmem:v1+s8+$0x0], $0xffff  }
0x39: {  	v2 =	vld [tilespmem:s12+$0xCB0];
	_ =	sdelay $0x4  }
0x3a: {  	v1 =	vadd.f32 v2, v1;
	_ =	sdelay $0x1  }
0x3b: {  	v57 =	vld [tilespmem:s14+$0x10];
	[tilespmem:s12+$0xCB0] =	vst v1  }
0x3c: {  	v0 =	vld.idx.msk [tilespmem:v0+s8+$0x0], $0xffff  }
0x3d: {  	v1 =	vld [tilespmem:s14+$0xC80];
	_ =	sdelay $0x4  }
0x3e: {  	v0 =	vadd.f32 v1, v0  }
0x3f: {  	v58 =	vld [tilespmem:s14+$0xC90]  }
0x40: {  	v59 =	vld [tilespmem:s14+$0x20];
	[tilespmem:s14+$0xC80] =	vst v0  }
0x41: {  	v0 =	vld.idx.msk [tilespmem:v57+s8+$0x0], $0xffff;
	_ =	sdelay $0x4  }
0x42: {  	v0 =	vadd.f32 v58, v0  }
0x43: {  	v60 =	vld [tilespmem:s14+$0x30]  }
0x44: {  	v62 =	vld [tilespmem:s14+$0xCA0];
	[tilespmem:s14+$0xC90] =	vst v0  }
0x45: {  	v61 =	vld.idx.msk [tilespmem:v59+s8+$0x0], $0xffff;
	_ =	sdelay $0x4  }
0x46: {  	v1 =	vadd.f32 v62, v61;
	_ =	sdelay $0x1  }
0x47: {  	v63 =	vld [tilespmem:s14+$0xCB0];
	[tilespmem:s14+$0xCA0] =	vst v1  }
0x48: {  	v0 =	vld.idx.msk [tilespmem:v60+s8+$0x0], $0xffff;
	_ =	sdelay $0x4  }
0x49: {  	s11 =	sadd.s32 $0x1, s11;
	v0 =	vadd.f32 v63, v0  }
0x4a: {  	p0 =	sne.s32 s11, s7  }
.Ltmp1:
0x4b: {  	[tilespmem:s14+$0xCB0] =	vst v0;
	(pc) =	sbr.rel @p0 .LBB2_1-.Ltmp1, $4  }
0x4c: {  	[hbm4b:s6+s3] =	stream.linear.scatter [tilespmem:s10], [sflag:$0x1], $0xC40, $0x38;
	[tilespmem:$0x1980] =	vst v63  }
0x4d: {  	_ =	swait.ge [sflag:s9], $0xC40  }
0x4e: {  	[sflag:s9] =	ssyncset.done $0x0  }
0x4f: {  	[sflag:s9] =	ssyncadd.s32 $0xFFFFF3C0  }
0x50: {  	_ =	sfence.sel $0x180000  }
0x51: {  	[bflag:$0x0] =	sbarrier.arrive $0xFFFF  }
0x52: {  	p0 =	sne.s32 s0, $0x0;
	_ =	strace $0x90000047  }
0x53: {  	s0 =	sadd.s32 @!p0 $0x100000, s1;
	[bflag:$0x2] =	sbarrier.arrive $0xFFFF  }
0x54: {  	[sflag:s0] =	ssyncadd.tile.s32 @!p0 $0x1;
	_ =	shalt  }
.Lfunc_end2:
_tile_overlayer_lowered:
.L_overlay_start_2:
0x55: {  	(tag) =	ssettag $0x2  }
0x56: {  	s0 =	rddreg [dreg:$0x0];
	s2 =	stileid.u32  }
0x57: {  	s1 =	rddreg [dreg:$0x1];
	p0 =	sne.s32 s2, $0x0  }
0x58: {  	s3 =	rddreg [dreg:$0x2];
	[bflag:$0x3] =	sbarrier.arrive $0xFFFF;
	s2 =	simm.s32 @!p0 $0x1C01  }
0x59: {  	[timem:s3], [sflag:s2] =	dma.local @!p0 [hbm:s0], s1  }
0x5a: {  	s0 =	simm.s32 @!p0 $0x1  }
0x5b: {  	_ =	swait.ge @!p0 [sflag:s0], s1  }
0x5c: {  	s1 =	ssub.s32 @!p0 $0x0, s1;
	[sflag:s0] =	ssyncset.done @!p0 $0x0  }
0x5d: {  	[sflag:s0] =	ssyncadd.s32 @!p0 s1  }
0x5e: {  	[bflag:$0x3] =	sbarrier.arrive $0xFFFF  }
0x5f: {  	_ =	shalt  }

</sc_bundles>
